<compile_context>
chip_gen: v7x
topology: tpu7x:2x2x1
jax: 0.10.2.dev20260603
libtpu: 0.0.44.dev20260713+nightly
codegen_flags: <defaults>
</compile_context>

<pallas_src>
import functools

import jax
import jax.numpy as jnp
from jax import lax
from jax.experimental import pallas as pl
from jax.experimental.pallas import tpu as pltpu
from jax.experimental.pallas import tpu_sc as plsc

PDIM = 128
CHUNK = 128
NBUF = 4


@functools.lru_cache(maxsize=None)
def _build(n_total, n_workers, n_chunks):
    per_worker = n_chunks * CHUNK
    mesh = plsc.VectorSubcoreMesh(core_axis_name="c", subcore_axis_name="s")

    @functools.partial(
        pl.kernel,
        mesh=mesh,
        out_type=jax.ShapeDtypeStruct((n_total, PDIM), jnp.float32),
        scratch_types=[
            pltpu.VMEM((n_chunks, CHUNK), jnp.int32),
        ]
        + [pltpu.VMEM((CHUNK, PDIM), jnp.float32)] * NBUF
        + [pltpu.SemaphoreType.DMA] * (2 * NBUF),
    )
    def k(idx_hbm, table_hbm, out_hbm, idx_v, *rest):
        bufs = rest[:NBUF]
        gsems = rest[NBUF : 2 * NBUF]
        wsems = rest[2 * NBUF :]
        wid = lax.axis_index("s") * 2 + lax.axis_index("c")
        pltpu.sync_copy(idx_hbm.at[wid], idx_v)
        base = wid * per_worker

        def fire_gather(t, r):
            pltpu.async_copy(table_hbm.at[idx_v.at[t]], bufs[r], gsems[r])

        def drain_gather(r):
            pltpu.make_async_copy(
                table_hbm.at[idx_v.at[0]], bufs[r], gsems[r]
            ).wait()

        def fire_write(t, r):
            pltpu.async_copy(
                bufs[r], out_hbm.at[pl.ds(base + t * CHUNK, CHUNK)], wsems[r]
            )

        def drain_write(r):
            pltpu.make_async_copy(
                bufs[r], out_hbm.at[pl.ds(0, CHUNK)], wsems[r]
            ).wait()

        fire_gather(0, 0)
        fire_gather(1, 1)

        def step(t, r):
            @pl.when(t >= 2)
            def _():
                drain_write((r - 2) % NBUF)

            @pl.when(t + 2 < n_chunks)
            def _():
                fire_gather(t + 2, (r + 2) % NBUF)

            drain_gather(r)
            fire_write(t, r)

        def quad(i, carry):
            for r in range(NBUF):
                step(NBUF * i + r, r)
            return carry

        lax.fori_loop(0, n_chunks // NBUF, quad, 0)
        drain_write(2)
        drain_write(3)

    return k


def kernel(token_ids, weights):
    b, t = token_ids.shape
    dim = weights.shape[1]
    n_total = b * t
    n_workers = 32
    n_chunks = n_total // (n_workers * CHUNK)
    assert n_total % (n_workers * CHUNK) == 0 and n_chunks % NBUF == 0
    idx = token_ids.astype(jnp.int32).reshape(n_workers, n_chunks, CHUNK)
    wpad = jnp.pad(weights, ((0, 0), (0, PDIM - dim)))
    out = _build(n_total, n_workers, n_chunks)(idx, wpad)
    return out[:, :dim].reshape(b, t, dim)

# --- scband reference (transcript-rebuilt; emitter-appended) ---
"""Pipeline reference for scband-embedding-68590627717309 (READ-ONLY COPY).

The authoritative reference and input builder live on the scoring server;
editing this copy changes nothing except your own understanding.
"""

import jax, jax.numpy as jnp
import numpy as np

NUM_EMBEDDINGS = 1000000
EMBEDDING_DIM = 64

def setup_inputs(seed: int = 0) -> dict:
    key = jax.random.key(seed)
    k_idx, k_w = jax.random.split(key)
    token_ids = jax.random.randint(k_idx, (4096, 200), 0, NUM_EMBEDDINGS, dtype=jnp.int64 if jax.config.jax_enable_x64 else jnp.int32)
    # trunc_normal_(mean=0, std=1, a=-3, b=3)
    weights = jax.random.truncated_normal(k_w, -3.0, 3.0, (NUM_EMBEDDINGS, EMBEDDING_DIM), dtype=jnp.float32)
    return {"token_ids": token_ids, "weights": weights}

def reference(token_ids, weights):
    # weights[token_ids] -> gather along axis 0
    return jnp.take(weights, token_ids, axis=0)

if __name__ == "__main__":
    import jax
    _d = setup_inputs()
    print(jax.jit(kernel)(*tuple(_d.values())))

</pallas_src>

<mosaic_0001>
#map = affine_map<(d0, d1) -> (0, 0, 0)>
#map1 = affine_map<(d0, d1) -> (0, 0)>
module attributes {stable_mosaic.version = 14 : i64} {
  func.func @k(%arg0: i32, %arg1: i32, %arg2: memref<32x200x128xi32, #tpu.memory_space<hbm>>, %arg3: memref<1000000x128xf32, #tpu.memory_space<hbm>>, %arg4: memref<819200x128xf32, #tpu.memory_space<hbm>>, %arg5: memref<200x128xi32, #tpu.memory_space<vmem>>, %arg6: memref<128x128xf32, #tpu.memory_space<vmem>>, %arg7: memref<128x128xf32, #tpu.memory_space<vmem>>, %arg8: memref<128x128xf32, #tpu.memory_space<vmem>>, %arg9: memref<128x128xf32, #tpu.memory_space<vmem>>, %arg10: memref<!tpu.dma_semaphore, #tpu.memory_space<semaphore_mem>>, %arg11: memref<!tpu.dma_semaphore, #tpu.memory_space<semaphore_mem>>, %arg12: memref<!tpu.dma_semaphore, #tpu.memory_space<semaphore_mem>>, %arg13: memref<!tpu.dma_semaphore, #tpu.memory_space<semaphore_mem>>, %arg14: memref<!tpu.dma_semaphore, #tpu.memory_space<semaphore_mem>>, %arg15: memref<!tpu.dma_semaphore, #tpu.memory_space<semaphore_mem>>, %arg16: memref<!tpu.dma_semaphore, #tpu.memory_space<semaphore_mem>>, %arg17: memref<!tpu.dma_semaphore, #tpu.memory_space<semaphore_mem>>) attributes {dimension_semantics = [#tpu.dimension_semantics<core_parallel>, #tpu.dimension_semantics<subcore_parallel>], iteration_bounds = array<i64: 2, 16>, scalar_prefetch = 0 : i64, scratch_operands = 13 : i64, tpu.core_type = #tpu.core_type<sc_vector_subcore>, window_params = [{transform_indices = #map}, {transform_indices = #map1}, {transform_indices = #map1}]} {
    %mul3A = arith.constant 2 : i32
    %mul3A_0 = arith.muli %arg1, %mul3A : i32
    %add3A = arith.addi %mul3A_0, %arg0 : i32
    "tpu.region"() ({
      %run_scoped3A = tpu.sem_alloc : memref<!tpu.dma_semaphore, #tpu.memory_space<semaphore_mem>>
      %dma_start3A_32 = arith.constant 0 : i32
      %dma_start3A_33 = arith.constant 0 : i32
      %dma_start3A_34 = tpu.memref_slice %arg2[%add3A, %dma_start3A_32, %dma_start3A_33] : memref<32x200x128xi32, #tpu.memory_space<hbm>> -> memref<1x200x128xi32, #tpu.memory_space<hbm>>
      %dma_start3A_35 = tpu.memref_squeeze %dma_start3A_34 : memref<1x200x128xi32, #tpu.memory_space<hbm>> -> memref<200x128xi32, #tpu.memory_space<hbm>>
      %dma_start3A_36 = arith.constant 0 : i32
      %dma_start3A_37 = arith.constant 0 : i32
      %dma_start3A_38 = tpu.memref_slice %arg2[%add3A, %dma_start3A_36, %dma_start3A_37] : memref<32x200x128xi32, #tpu.memory_space<hbm>> -> memref<1x200x128xi32, #tpu.memory_space<hbm>>
      %dma_start3A_39 = tpu.memref_squeeze %dma_start3A_38 : memref<1x200x128xi32, #tpu.memory_space<hbm>> -> memref<200x128xi32, #tpu.memory_space<hbm>>
      tpu.enqueue_dma source(%dma_start3A_39 : memref<200x128xi32, #tpu.memory_space<hbm>>) target(%arg5 : memref<200x128xi32, #tpu.memory_space<vmem>>) target_semaphore(%run_scoped3A : memref<!tpu.dma_semaphore, #tpu.memory_space<semaphore_mem>>)
      %dma_wait3A_40 = arith.constant 0 : i32
      %dma_wait3A_41 = arith.constant 0 : i32
      %dma_wait3A_42 = tpu.memref_slice %arg2[%add3A, %dma_wait3A_40, %dma_wait3A_41] : memref<32x200x128xi32, #tpu.memory_space<hbm>> -> memref<1x200x128xi32, #tpu.memory_space<hbm>>
      %dma_wait3A_43 = tpu.memref_squeeze %dma_wait3A_42 : memref<1x200x128xi32, #tpu.memory_space<hbm>> -> memref<200x128xi32, #tpu.memory_space<hbm>>
      %dma_wait3A_44 = arith.constant 0 : i32
      %dma_wait3A_45 = arith.constant 0 : i32
      %dma_wait3A_46 = tpu.memref_slice %arg2[%add3A, %dma_wait3A_44, %dma_wait3A_45] : memref<32x200x128xi32, #tpu.memory_space<hbm>> -> memref<1x200x128xi32, #tpu.memory_space<hbm>>
      %dma_wait3A_47 = tpu.memref_squeeze %dma_wait3A_46 : memref<1x200x128xi32, #tpu.memory_space<hbm>> -> memref<200x128xi32, #tpu.memory_space<hbm>>
      tpu.wait_dma2 semaphore(%run_scoped3A : memref<!tpu.dma_semaphore, #tpu.memory_space<semaphore_mem>>) src(%dma_wait3A_47 : memref<200x128xi32, #tpu.memory_space<hbm>>) dst(%arg5 : memref<200x128xi32, #tpu.memory_space<vmem>>)
      tpu.yield
    }) : () -> ()
    %mul3A_1 = arith.constant 25600 : i32
    %mul3A_2 = arith.muli %add3A, %mul3A_1 : i32
    %dma_start3A = arith.constant 0 : i32
    %dma_start3A_3 = arith.constant 0 : i32
    %dma_start3A_4 = tpu.memref_slice %arg5[%dma_start3A, %dma_start3A_3] : memref<200x128xi32, #tpu.memory_space<vmem>> -> memref<1x128xi32, #tpu.memory_space<vmem>>
    %dma_start3A_5 = tpu.memref_squeeze %dma_start3A_4 : memref<1x128xi32, #tpu.memory_space<vmem>> -> memref<128xi32, #tpu.memory_space<vmem>>
    %dma_start3A_6 = arith.constant 0 : i32
    %dma_start3A_7 = arith.constant 0 : i32
    %dma_start3A_8 = tpu.memref_slice %arg3[%dma_start3A_6, %dma_start3A_7] : memref<1000000x128xf32, #tpu.memory_space<hbm>> -> memref<1000000x128xf32, #tpu.memory_space<hbm>>
    tpu.enqueue_indirect_dma source(%dma_start3A_8 : memref<1000000x128xf32, #tpu.memory_space<hbm>>) target(%arg6 : memref<128x128xf32, #tpu.memory_space<vmem>>) offsets(%dma_start3A_5 : memref<128xi32, #tpu.memory_space<vmem>>) semaphore(%arg10 : memref<!tpu.dma_semaphore, #tpu.memory_space<semaphore_mem>>)
    %dma_start3A_9 = arith.constant 1 : i32
    %dma_start3A_10 = arith.constant 0 : i32
    %dma_start3A_11 = tpu.memref_slice %arg5[%dma_start3A_9, %dma_start3A_10] : memref<200x128xi32, #tpu.memory_space<vmem>> -> memref<1x128xi32, #tpu.memory_space<vmem>>
    %dma_start3A_12 = tpu.memref_squeeze %dma_start3A_11 : memref<1x128xi32, #tpu.memory_space<vmem>> -> memref<128xi32, #tpu.memory_space<vmem>>
    %dma_start3A_13 = arith.constant 0 : i32
    %dma_start3A_14 = arith.constant 0 : i32
    %dma_start3A_15 = tpu.memref_slice %arg3[%dma_start3A_13, %dma_start3A_14] : memref<1000000x128xf32, #tpu.memory_space<hbm>> -> memref<1000000x128xf32, #tpu.memory_space<hbm>>
    tpu.enqueue_indirect_dma source(%dma_start3A_15 : memref<1000000x128xf32, #tpu.memory_space<hbm>>) target(%arg7 : memref<128x128xf32, #tpu.memory_space<vmem>>) offsets(%dma_start3A_12 : memref<128xi32, #tpu.memory_space<vmem>>) semaphore(%arg11 : memref<!tpu.dma_semaphore, #tpu.memory_space<semaphore_mem>>)
    %scan3A = arith.constant 0 : i32
    %scan3A_16 = arith.constant 0 : i32
    %scan3A_17 = arith.constant 50 : i32
    %scan3A_18 = arith.addi %scan3A_16, %scan3A_17 : i32
    %scan3A_19 = arith.constant 1 : i32
    scf.for %scan3A_32 = %scan3A_16 to %scan3A_18 step %scan3A_19  : i32 {
      %mul3A_33 = arith.constant 4 : i32
      %mul3A_34 = arith.muli %mul3A_33, %scan3A_32 : i32
      %add3A_35 = arith.constant 0 : i32
      %add3A_36 = arith.addi %mul3A_34, %add3A_35 : i32
      %ge3A = arith.constant 2 : i32
      %ge3A_37 = arith.cmpi sge, %add3A_36, %ge3A : i32
      %convert_element_type3A = arith.extui %ge3A_37 : i1 to i32
      %cond3A = arith.constant 0 : i32
      %cond3A_38 = arith.cmpi ne, %convert_element_type3A, %cond3A : i32
      scf.if %cond3A_38 {
        %dma_wait3A_149 = arith.constant 0 : i32
        %dma_wait3A_150 = arith.constant 0 : i32
        %dma_wait3A_151 = tpu.memref_slice %arg4[%dma_wait3A_149, %dma_wait3A_150] : memref<819200x128xf32, #tpu.memory_space<hbm>> -> memref<128x128xf32, #tpu.memory_space<hbm>>
        %dma_wait3A_152 = arith.constant 0 : i32
        %dma_wait3A_153 = arith.constant 0 : i32
        %dma_wait3A_154 = tpu.memref_slice %arg4[%dma_wait3A_152, %dma_wait3A_153] : memref<819200x128xf32, #tpu.memory_space<hbm>> -> memref<128x128xf32, #tpu.memory_space<hbm>>
        tpu.wait_dma2 semaphore(%arg16 : memref<!tpu.dma_semaphore, #tpu.memory_space<semaphore_mem>>) src(%arg8 : memref<128x128xf32, #tpu.memory_space<vmem>>) dst(%dma_wait3A_154 : memref<128x128xf32, #tpu.memory_space<hbm>>)
      } else {
      }
      %add3A_39 = arith.constant 2 : i32
      %add3A_40 = arith.addi %add3A_36, %add3A_39 : i32
      %lt3A = arith.constant 200 : i32
      %lt3A_41 = arith.cmpi slt, %add3A_40, %lt3A : i32
      %convert_element_type3A_42 = arith.extui %lt3A_41 : i1 to i32
      %cond3A_43 = arith.constant 0 : i32
      %cond3A_44 = arith.cmpi ne, %convert_element_type3A_42, %cond3A_43 : i32
      scf.if %cond3A_44 {
        %add3A_149 = arith.constant 2 : i32
        %add3A_150 = arith.addi %add3A_36, %add3A_149 : i32
        %dma_start3A_151 = arith.constant 0 : i32
        %dma_start3A_152 = tpu.memref_slice %arg5[%add3A_150, %dma_start3A_151] : memref<200x128xi32, #tpu.memory_space<vmem>> -> memref<1x128xi32, #tpu.memory_space<vmem>>
        %dma_start3A_153 = tpu.memref_squeeze %dma_start3A_152 : memref<1x128xi32, #tpu.memory_space<vmem>> -> memref<128xi32, #tpu.memory_space<vmem>>
        %dma_start3A_154 = arith.constant 0 : i32
        %dma_start3A_155 = arith.constant 0 : i32
        %dma_start3A_156 = tpu.memref_slice %arg3[%dma_start3A_154, %dma_start3A_155] : memref<1000000x128xf32, #tpu.memory_space<hbm>> -> memref<1000000x128xf32, #tpu.memory_space<hbm>>
        tpu.enqueue_indirect_dma source(%dma_start3A_156 : memref<1000000x128xf32, #tpu.memory_space<hbm>>) target(%arg8 : memref<128x128xf32, #tpu.memory_space<vmem>>) offsets(%dma_start3A_153 : memref<128xi32, #tpu.memory_space<vmem>>) semaphore(%arg12 : memref<!tpu.dma_semaphore, #tpu.memory_space<semaphore_mem>>)
      } else {
      }
      %dma_wait3A_45 = arith.constant 0 : i32
      %dma_wait3A_46 = arith.constant 0 : i32
      %dma_wait3A_47 = tpu.memref_slice %arg5[%dma_wait3A_45, %dma_wait3A_46] : memref<200x128xi32, #tpu.memory_space<vmem>> -> memref<1x128xi32, #tpu.memory_space<vmem>>
      %dma_wait3A_48 = tpu.memref_squeeze %dma_wait3A_47 : memref<1x128xi32, #tpu.memory_space<vmem>> -> memref<128xi32, #tpu.memory_space<vmem>>
      %dma_wait3A_49 = arith.constant 0 : i32
      %dma_wait3A_50 = arith.constant 0 : i32
      %dma_wait3A_51 = tpu.memref_slice %arg3[%dma_wait3A_49, %dma_wait3A_50] : memref<1000000x128xf32, #tpu.memory_space<hbm>> -> memref<1000000x128xf32, #tpu.memory_space<hbm>>
      tpu.wait_indirect_dma semaphore(%arg10 : memref<!tpu.dma_semaphore, #tpu.memory_space<semaphore_mem>>) src(%dma_wait3A_51 : memref<1000000x128xf32, #tpu.memory_space<hbm>>) dst(%arg6 : memref<128x128xf32, #tpu.memory_space<vmem>>)
      %mul3A_52 = arith.constant 128 : i32
      %mul3A_53 = arith.muli %add3A_36, %mul3A_52 : i32
      %add3A_54 = arith.addi %mul3A_2, %mul3A_53 : i32
      %dma_start3A_55 = arith.constant 0 : i32
      %dma_start3A_56 = tpu.memref_slice %arg4[%add3A_54, %dma_start3A_55] : memref<819200x128xf32, #tpu.memory_space<hbm>> -> memref<128x128xf32, #tpu.memory_space<hbm>>
      %dma_start3A_57 = arith.constant 0 : i32
      %dma_start3A_58 = tpu.memref_slice %arg4[%add3A_54, %dma_start3A_57] : memref<819200x128xf32, #tpu.memory_space<hbm>> -> memref<128x128xf32, #tpu.memory_space<hbm>>
      tpu.enqueue_dma source(%arg6 : memref<128x128xf32, #tpu.memory_space<vmem>>) target(%dma_start3A_58 : memref<128x128xf32, #tpu.memory_space<hbm>>) target_semaphore(%arg14 : memref<!tpu.dma_semaphore, #tpu.memory_space<semaphore_mem>>)
      %mul3A_59 = arith.constant 4 : i32
      %mul3A_60 = arith.muli %mul3A_59, %scan3A_32 : i32
      %add3A_61 = arith.constant 1 : i32
      %add3A_62 = arith.addi %mul3A_60, %add3A_61 : i32
      %ge3A_63 = arith.constant 2 : i32
      %ge3A_64 = arith.cmpi sge, %add3A_62, %ge3A_63 : i32
      %convert_element_type3A_65 = arith.extui %ge3A_64 : i1 to i32
      %cond3A_66 = arith.constant 0 : i32
      %cond3A_67 = arith.cmpi ne, %convert_element_type3A_65, %cond3A_66 : i32
      scf.if %cond3A_67 {
        %dma_wait3A_149 = arith.constant 0 : i32
        %dma_wait3A_150 = arith.constant 0 : i32
        %dma_wait3A_151 = tpu.memref_slice %arg4[%dma_wait3A_149, %dma_wait3A_150] : memref<819200x128xf32, #tpu.memory_space<hbm>> -> memref<128x128xf32, #tpu.memory_space<hbm>>
        %dma_wait3A_152 = arith.constant 0 : i32
        %dma_wait3A_153 = arith.constant 0 : i32
        %dma_wait3A_154 = tpu.memref_slice %arg4[%dma_wait3A_152, %dma_wait3A_153] : memref<819200x128xf32, #tpu.memory_space<hbm>> -> memref<128x128xf32, #tpu.memory_space<hbm>>
        tpu.wait_dma2 semaphore(%arg17 : memref<!tpu.dma_semaphore, #tpu.memory_space<semaphore_mem>>) src(%arg9 : memref<128x128xf32, #tpu.memory_space<vmem>>) dst(%dma_wait3A_154 : memref<128x128xf32, #tpu.memory_space<hbm>>)
      } else {
      }
      %add3A_68 = arith.constant 2 : i32
      %add3A_69 = arith.addi %add3A_62, %add3A_68 : i32
      %lt3A_70 = arith.constant 200 : i32
      %lt3A_71 = arith.cmpi slt, %add3A_69, %lt3A_70 : i32
      %convert_element_type3A_72 = arith.extui %lt3A_71 : i1 to i32
      %cond3A_73 = arith.constant 0 : i32
      %cond3A_74 = arith.cmpi ne, %convert_element_type3A_72, %cond3A_73 : i32
      scf.if %cond3A_74 {
        %add3A_149 = arith.constant 2 : i32
        %add3A_150 = arith.addi %add3A_62, %add3A_149 : i32
        %dma_start3A_151 = arith.constant 0 : i32
        %dma_start3A_152 = tpu.memref_slice %arg5[%add3A_150, %dma_start3A_151] : memref<200x128xi32, #tpu.memory_space<vmem>> -> memref<1x128xi32, #tpu.memory_space<vmem>>
        %dma_start3A_153 = tpu.memref_squeeze %dma_start3A_152 : memref<1x128xi32, #tpu.memory_space<vmem>> -> memref<128xi32, #tpu.memory_space<vmem>>
        %dma_start3A_154 = arith.constant 0 : i32
        %dma_start3A_155 = arith.constant 0 : i32
        %dma_start3A_156 = tpu.memref_slice %arg3[%dma_start3A_154, %dma_start3A_155] : memref<1000000x128xf32, #tpu.memory_space<hbm>> -> memref<1000000x128xf32, #tpu.memory_space<hbm>>
        tpu.enqueue_indirect_dma source(%dma_start3A_156 : memref<1000000x128xf32, #tpu.memory_space<hbm>>) target(%arg9 : memref<128x128xf32, #tpu.memory_space<vmem>>) offsets(%dma_start3A_153 : memref<128xi32, #tpu.memory_space<vmem>>) semaphore(%arg13 : memref<!tpu.dma_semaphore, #tpu.memory_space<semaphore_mem>>)
      } else {
      }
      %dma_wait3A_75 = arith.constant 0 : i32
      %dma_wait3A_76 = arith.constant 0 : i32
      %dma_wait3A_77 = tpu.memref_slice %arg5[%dma_wait3A_75, %dma_wait3A_76] : memref<200x128xi32, #tpu.memory_space<vmem>> -> memref<1x128xi32, #tpu.memory_space<vmem>>
      %dma_wait3A_78 = tpu.memref_squeeze %dma_wait3A_77 : memref<1x128xi32, #tpu.memory_space<vmem>> -> memref<128xi32, #tpu.memory_space<vmem>>
      %dma_wait3A_79 = arith.constant 0 : i32
      %dma_wait3A_80 = arith.constant 0 : i32
      %dma_wait3A_81 = tpu.memref_slice %arg3[%dma_wait3A_79, %dma_wait3A_80] : memref<1000000x128xf32, #tpu.memory_space<hbm>> -> memref<1000000x128xf32, #tpu.memory_space<hbm>>
      tpu.wait_indirect_dma semaphore(%arg11 : memref<!tpu.dma_semaphore, #tpu.memory_space<semaphore_mem>>) src(%dma_wait3A_81 : memref<1000000x128xf32, #tpu.memory_space<hbm>>) dst(%arg7 : memref<128x128xf32, #tpu.memory_space<vmem>>)
      %mul3A_82 = arith.constant 128 : i32
      %mul3A_83 = arith.muli %add3A_62, %mul3A_82 : i32
      %add3A_84 = arith.addi %mul3A_2, %mul3A_83 : i32
      %dma_start3A_85 = arith.constant 0 : i32
      %dma_start3A_86 = tpu.memref_slice %arg4[%add3A_84, %dma_start3A_85] : memref<819200x128xf32, #tpu.memory_space<hbm>> -> memref<128x128xf32, #tpu.memory_space<hbm>>
      %dma_start3A_87 = arith.constant 0 : i32
      %dma_start3A_88 = tpu.memref_slice %arg4[%add3A_84, %dma_start3A_87] : memref<819200x128xf32, #tpu.memory_space<hbm>> -> memref<128x128xf32, #tpu.memory_space<hbm>>
      tpu.enqueue_dma source(%arg7 : memref<128x128xf32, #tpu.memory_space<vmem>>) target(%dma_start3A_88 : memref<128x128xf32, #tpu.memory_space<hbm>>) target_semaphore(%arg15 : memref<!tpu.dma_semaphore, #tpu.memory_space<semaphore_mem>>)
      %mul3A_89 = arith.constant 4 : i32
      %mul3A_90 = arith.muli %mul3A_89, %scan3A_32 : i32
      %add3A_91 = arith.constant 2 : i32
      %add3A_92 = arith.addi %mul3A_90, %add3A_91 : i32
      %ge3A_93 = arith.constant 2 : i32
      %ge3A_94 = arith.cmpi sge, %add3A_92, %ge3A_93 : i32
      %convert_element_type3A_95 = arith.extui %ge3A_94 : i1 to i32
      %cond3A_96 = arith.constant 0 : i32
      %cond3A_97 = arith.cmpi ne, %convert_element_type3A_95, %cond3A_96 : i32
      scf.if %cond3A_97 {
        %dma_wait3A_149 = arith.constant 0 : i32
        %dma_wait3A_150 = arith.constant 0 : i32
        %dma_wait3A_151 = tpu.memref_slice %arg4[%dma_wait3A_149, %dma_wait3A_150] : memref<819200x128xf32, #tpu.memory_space<hbm>> -> memref<128x128xf32, #tpu.memory_space<hbm>>
        %dma_wait3A_152 = arith.constant 0 : i32
        %dma_wait3A_153 = arith.constant 0 : i32
        %dma_wait3A_154 = tpu.memref_slice %arg4[%dma_wait3A_152, %dma_wait3A_153] : memref<819200x128xf32, #tpu.memory_space<hbm>> -> memref<128x128xf32, #tpu.memory_space<hbm>>
        tpu.wait_dma2 semaphore(%arg14 : memref<!tpu.dma_semaphore, #tpu.memory_space<semaphore_mem>>) src(%arg6 : memref<128x128xf32, #tpu.memory_space<vmem>>) dst(%dma_wait3A_154 : memref<128x128xf32, #tpu.memory_space<hbm>>)
      } else {
      }
      %add3A_98 = arith.constant 2 : i32
      %add3A_99 = arith.addi %add3A_92, %add3A_98 : i32
      %lt3A_100 = arith.constant 200 : i32
      %lt3A_101 = arith.cmpi slt, %add3A_99, %lt3A_100 : i32
      %convert_element_type3A_102 = arith.extui %lt3A_101 : i1 to i32
      %cond3A_103 = arith.constant 0 : i32
      %cond3A_104 = arith.cmpi ne, %convert_element_type3A_102, %cond3A_103 : i32
      scf.if %cond3A_104 {
        %add3A_149 = arith.constant 2 : i32
        %add3A_150 = arith.addi %add3A_92, %add3A_149 : i32
        %dma_start3A_151 = arith.constant 0 : i32
        %dma_start3A_152 = tpu.memref_slice %arg5[%add3A_150, %dma_start3A_151] : memref<200x128xi32, #tpu.memory_space<vmem>> -> memref<1x128xi32, #tpu.memory_space<vmem>>
        %dma_start3A_153 = tpu.memref_squeeze %dma_start3A_152 : memref<1x128xi32, #tpu.memory_space<vmem>> -> memref<128xi32, #tpu.memory_space<vmem>>
        %dma_start3A_154 = arith.constant 0 : i32
        %dma_start3A_155 = arith.constant 0 : i32
        %dma_start3A_156 = tpu.memref_slice %arg3[%dma_start3A_154, %dma_start3A_155] : memref<1000000x128xf32, #tpu.memory_space<hbm>> -> memref<1000000x128xf32, #tpu.memory_space<hbm>>
        tpu.enqueue_indirect_dma source(%dma_start3A_156 : memref<1000000x128xf32, #tpu.memory_space<hbm>>) target(%arg6 : memref<128x128xf32, #tpu.memory_space<vmem>>) offsets(%dma_start3A_153 : memref<128xi32, #tpu.memory_space<vmem>>) semaphore(%arg10 : memref<!tpu.dma_semaphore, #tpu.memory_space<semaphore_mem>>)
      } else {
      }
      %dma_wait3A_105 = arith.constant 0 : i32
      %dma_wait3A_106 = arith.constant 0 : i32
      %dma_wait3A_107 = tpu.memref_slice %arg5[%dma_wait3A_105, %dma_wait3A_106] : memref<200x128xi32, #tpu.memory_space<vmem>> -> memref<1x128xi32, #tpu.memory_space<vmem>>
      %dma_wait3A_108 = tpu.memref_squeeze %dma_wait3A_107 : memref<1x128xi32, #tpu.memory_space<vmem>> -> memref<128xi32, #tpu.memory_space<vmem>>
      %dma_wait3A_109 = arith.constant 0 : i32
      %dma_wait3A_110 = arith.constant 0 : i32
      %dma_wait3A_111 = tpu.memref_slice %arg3[%dma_wait3A_109, %dma_wait3A_110] : memref<1000000x128xf32, #tpu.memory_space<hbm>> -> memref<1000000x128xf32, #tpu.memory_space<hbm>>
      tpu.wait_indirect_dma semaphore(%arg12 : memref<!tpu.dma_semaphore, #tpu.memory_space<semaphore_mem>>) src(%dma_wait3A_111 : memref<1000000x128xf32, #tpu.memory_space<hbm>>) dst(%arg8 : memref<128x128xf32, #tpu.memory_space<vmem>>)
      %mul3A_112 = arith.constant 128 : i32
      %mul3A_113 = arith.muli %add3A_92, %mul3A_112 : i32
      %add3A_114 = arith.addi %mul3A_2, %mul3A_113 : i32
      %dma_start3A_115 = arith.constant 0 : i32
      %dma_start3A_116 = tpu.memref_slice %arg4[%add3A_114, %dma_start3A_115] : memref<819200x128xf32, #tpu.memory_space<hbm>> -> memref<128x128xf32, #tpu.memory_space<hbm>>
      %dma_start3A_117 = arith.constant 0 : i32
      %dma_start3A_118 = tpu.memref_slice %arg4[%add3A_114, %dma_start3A_117] : memref<819200x128xf32, #tpu.memory_space<hbm>> -> memref<128x128xf32, #tpu.memory_space<hbm>>
      tpu.enqueue_dma source(%arg8 : memref<128x128xf32, #tpu.memory_space<vmem>>) target(%dma_start3A_118 : memref<128x128xf32, #tpu.memory_space<hbm>>) target_semaphore(%arg16 : memref<!tpu.dma_semaphore, #tpu.memory_space<semaphore_mem>>)
      %mul3A_119 = arith.constant 4 : i32
      %mul3A_120 = arith.muli %mul3A_119, %scan3A_32 : i32
      %add3A_121 = arith.constant 3 : i32
      %add3A_122 = arith.addi %mul3A_120, %add3A_121 : i32
      %ge3A_123 = arith.constant 2 : i32
      %ge3A_124 = arith.cmpi sge, %add3A_122, %ge3A_123 : i32
      %convert_element_type3A_125 = arith.extui %ge3A_124 : i1 to i32
      %cond3A_126 = arith.constant 0 : i32
      %cond3A_127 = arith.cmpi ne, %convert_element_type3A_125, %cond3A_126 : i32
      scf.if %cond3A_127 {
        %dma_wait3A_149 = arith.constant 0 : i32
        %dma_wait3A_150 = arith.constant 0 : i32
        %dma_wait3A_151 = tpu.memref_slice %arg4[%dma_wait3A_149, %dma_wait3A_150] : memref<819200x128xf32, #tpu.memory_space<hbm>> -> memref<128x128xf32, #tpu.memory_space<hbm>>
        %dma_wait3A_152 = arith.constant 0 : i32
        %dma_wait3A_153 = arith.constant 0 : i32
        %dma_wait3A_154 = tpu.memref_slice %arg4[%dma_wait3A_152, %dma_wait3A_153] : memref<819200x128xf32, #tpu.memory_space<hbm>> -> memref<128x128xf32, #tpu.memory_space<hbm>>
        tpu.wait_dma2 semaphore(%arg15 : memref<!tpu.dma_semaphore, #tpu.memory_space<semaphore_mem>>) src(%arg7 : memref<128x128xf32, #tpu.memory_space<vmem>>) dst(%dma_wait3A_154 : memref<128x128xf32, #tpu.memory_space<hbm>>)
      } else {
      }
      %add3A_128 = arith.constant 2 : i32
      %add3A_129 = arith.addi %add3A_122, %add3A_128 : i32
      %lt3A_130 = arith.constant 200 : i32
      %lt3A_131 = arith.cmpi slt, %add3A_129, %lt3A_130 : i32
      %convert_element_type3A_132 = arith.extui %lt3A_131 : i1 to i32
      %cond3A_133 = arith.constant 0 : i32
      %cond3A_134 = arith.cmpi ne, %convert_element_type3A_132, %cond3A_133 : i32
      scf.if %cond3A_134 {
        %add3A_149 = arith.constant 2 : i32
        %add3A_150 = arith.addi %add3A_122, %add3A_149 : i32
        %dma_start3A_151 = arith.constant 0 : i32
        %dma_start3A_152 = tpu.memref_slice %arg5[%add3A_150, %dma_start3A_151] : memref<200x128xi32, #tpu.memory_space<vmem>> -> memref<1x128xi32, #tpu.memory_space<vmem>>
        %dma_start3A_153 = tpu.memref_squeeze %dma_start3A_152 : memref<1x128xi32, #tpu.memory_space<vmem>> -> memref<128xi32, #tpu.memory_space<vmem>>
        %dma_start3A_154 = arith.constant 0 : i32
        %dma_start3A_155 = arith.constant 0 : i32
        %dma_start3A_156 = tpu.memref_slice %arg3[%dma_start3A_154, %dma_start3A_155] : memref<1000000x128xf32, #tpu.memory_space<hbm>> -> memref<1000000x128xf32, #tpu.memory_space<hbm>>
        tpu.enqueue_indirect_dma source(%dma_start3A_156 : memref<1000000x128xf32, #tpu.memory_space<hbm>>) target(%arg7 : memref<128x128xf32, #tpu.memory_space<vmem>>) offsets(%dma_start3A_153 : memref<128xi32, #tpu.memory_space<vmem>>) semaphore(%arg11 : memref<!tpu.dma_semaphore, #tpu.memory_space<semaphore_mem>>)
      } else {
      }
      %dma_wait3A_135 = arith.constant 0 : i32
      %dma_wait3A_136 = arith.constant 0 : i32
      %dma_wait3A_137 = tpu.memref_slice %arg5[%dma_wait3A_135, %dma_wait3A_136] : memref<200x128xi32, #tpu.memory_space<vmem>> -> memref<1x128xi32, #tpu.memory_space<vmem>>
      %dma_wait3A_138 = tpu.memref_squeeze %dma_wait3A_137 : memref<1x128xi32, #tpu.memory_space<vmem>> -> memref<128xi32, #tpu.memory_space<vmem>>
      %dma_wait3A_139 = arith.constant 0 : i32
      %dma_wait3A_140 = arith.constant 0 : i32
      %dma_wait3A_141 = tpu.memref_slice %arg3[%dma_wait3A_139, %dma_wait3A_140] : memref<1000000x128xf32, #tpu.memory_space<hbm>> -> memref<1000000x128xf32, #tpu.memory_space<hbm>>
      tpu.wait_indirect_dma semaphore(%arg13 : memref<!tpu.dma_semaphore, #tpu.memory_space<semaphore_mem>>) src(%dma_wait3A_141 : memref<1000000x128xf32, #tpu.memory_space<hbm>>) dst(%arg9 : memref<128x128xf32, #tpu.memory_space<vmem>>)
      %mul3A_142 = arith.constant 128 : i32
      %mul3A_143 = arith.muli %add3A_122, %mul3A_142 : i32
      %add3A_144 = arith.addi %mul3A_2, %mul3A_143 : i32
      %dma_start3A_145 = arith.constant 0 : i32
      %dma_start3A_146 = tpu.memref_slice %arg4[%add3A_144, %dma_start3A_145] : memref<819200x128xf32, #tpu.memory_space<hbm>> -> memref<128x128xf32, #tpu.memory_space<hbm>>
      %dma_start3A_147 = arith.constant 0 : i32
      %dma_start3A_148 = tpu.memref_slice %arg4[%add3A_144, %dma_start3A_147] : memref<819200x128xf32, #tpu.memory_space<hbm>> -> memref<128x128xf32, #tpu.memory_space<hbm>>
      tpu.enqueue_dma source(%arg9 : memref<128x128xf32, #tpu.memory_space<vmem>>) target(%dma_start3A_148 : memref<128x128xf32, #tpu.memory_space<hbm>>) target_semaphore(%arg17 : memref<!tpu.dma_semaphore, #tpu.memory_space<semaphore_mem>>)
    }
    %scan3A_20 = arith.constant 50 : i32
    %dma_wait3A = arith.constant 0 : i32
    %dma_wait3A_21 = arith.constant 0 : i32
    %dma_wait3A_22 = tpu.memref_slice %arg4[%dma_wait3A, %dma_wait3A_21] : memref<819200x128xf32, #tpu.memory_space<hbm>> -> memref<128x128xf32, #tpu.memory_space<hbm>>
    %dma_wait3A_23 = arith.constant 0 : i32
    %dma_wait3A_24 = arith.constant 0 : i32
    %dma_wait3A_25 = tpu.memref_slice %arg4[%dma_wait3A_23, %dma_wait3A_24] : memref<819200x128xf32, #tpu.memory_space<hbm>> -> memref<128x128xf32, #tpu.memory_space<hbm>>
    tpu.wait_dma2 semaphore(%arg16 : memref<!tpu.dma_semaphore, #tpu.memory_space<semaphore_mem>>) src(%arg8 : memref<128x128xf32, #tpu.memory_space<vmem>>) dst(%dma_wait3A_25 : memref<128x128xf32, #tpu.memory_space<hbm>>)
    %dma_wait3A_26 = arith.constant 0 : i32
    %dma_wait3A_27 = arith.constant 0 : i32
    %dma_wait3A_28 = tpu.memref_slice %arg4[%dma_wait3A_26, %dma_wait3A_27] : memref<819200x128xf32, #tpu.memory_space<hbm>> -> memref<128x128xf32, #tpu.memory_space<hbm>>
    %dma_wait3A_29 = arith.constant 0 : i32
    %dma_wait3A_30 = arith.constant 0 : i32
    %dma_wait3A_31 = tpu.memref_slice %arg4[%dma_wait3A_29, %dma_wait3A_30] : memref<819200x128xf32, #tpu.memory_space<hbm>> -> memref<128x128xf32, #tpu.memory_space<hbm>>
    tpu.wait_dma2 semaphore(%arg17 : memref<!tpu.dma_semaphore, #tpu.memory_space<semaphore_mem>>) src(%arg9 : memref<128x128xf32, #tpu.memory_space<vmem>>) dst(%dma_wait3A_31 : memref<128x128xf32, #tpu.memory_space<hbm>>)
    return
  }
}

</mosaic_0001>

<sc_bundles>
// kernel: kernel.3.cloned.1.call-start
scs
__scs_entry_jumppad:
0x0: {  	(pc) =	sbr.rel $0x88, $3  }
0x1: {  	(tag) =	ssettag $0x0;
	lr =	simm.s32 $0x1  }
0x2: {  	[smem:$0x3F9F] =	sst lr;
	_ =	strace $0xD0000000  }
0x3: {  	_ = 	snop  }
0x4: {  	_ = 	snop  }
0x5: {  	_ = 	snop  }
0x6: {  	_ = 	snop  }
0x7: {  	_ = 	snop  }
__scs_overlays_trampoline_lowered:
0x8: {  	[smem:$0x3FAE] =	sst s0  }
0x9: {  	[smem:$0x3FAF] =	sst s1  }
0xa: {  	[smem:$0x3FB0] =	sst s2  }
0xb: {  	[smem:$0x3FB1] =	sst s3  }
0xc: {  	[smem:$0x3FB2] =	sst s4  }
0xd: {  	[smem:$0x3FB3] =	sst s5  }
0xe: {  	[smem:$0x3FB4] =	sst s6  }
0xf: {  	[smem:$0x3FB5] =	sst s7  }
0x10: {  	[smem:$0x3FB6] =	sst s8  }
0x11: {  	[smem:$0x3FB7] =	sst s9;
	s0 =	simm.s32 @!p0 $0x0  }
0x12: {  	s1 =	sld [smem:$0x3F9D];
	s0 =	simm.s32 @p0 $0x1  }
0x13: {  	[smem:$0x3FB8] =	sst s0;
	s0 =	simm.s32 @!p1 $0x0  }
0x14: {  	s2 =	sld [smem:$0x3F9C];
	s0 =	simm.s32 @p1 $0x1  }
0x15: {  	[smem:$0x3FB9] =	sst s0;
	s0 =	simm.s32 @!p2 $0x0  }
0x16: {  	s3 =	sld [smem:$0x3FDB];
	s0 =	simm.s32 @p2 $0x1  }
0x17: {  	s4 =	simm.s32 $0x1BF5;
	[smem:$0x3FBB] =	sst s0  }
0x18: {  	s0 =	sld [smem:$0x3F9E];
	_ =	swait.ge [sflag:s4], $0x0  }
0x19: {  	s7 =	sld [smem:$0x3F9F]  }
0x1a: {  	s8 =	sadd.s32 $0xFFFFE003, lr  }
0x1b: {  	s9 =	sadd.s32 $0xFFFFFEF7, lr;
	s5 =	simm.s32 $0xFFFFFFFF;
	p2 =	slt.u32 s8, $0xFFFFF086  }
0x1c: {  	p1 =	slt.u32 s9, $0xF7A;
	s5 =	simm.s32 @!p2 $0x0  }
0x1d: {  	s5 =	simm.s32 @p1 $0x1;
	p0 =	seq.s32 s7, s2  }
0x1e: {  	s7 =	smul.u32 @!p0 $0xF7A, s2;
	p2 =	seq.s32 @!p0 s5, $0x0  }
0x1f: {  	s9 =	smul.u32 $0xF7A, s1;
	s8 =	simm.s32 @!p0 $0x1BF5;
	p2 =	por !p2, p0  }
0x20: {  	[sflag:s8] =	ssyncset.s32 @!p0 $0xFFFFF086;
	s6 =	sadd.s32 @!p0 s3, s7;
	s7 =	simm.s32 @!p0 $0x108  }
0x21: {  	s3 =	sadd.s32 s3, s9;
	s6 =	sadd.s32 @!p0 $0x88, s6;
	s7 =	simm.s32 @p2 $0x1082  }
0x22: {  	[simem:s7], [sflag:s8] =	dma.local @!p0 [hbm:s6], $0xF7A  }
0x23: {  	s9 =	sor.u32 $0xD0000000, s2;
	s6 =	simm.s32 $0x108;
	_ =	swait.ge @!p0 [sflag:s8], $0x0  }
0x24: {  	s3 =	sadd.s32 $0x88, s3;
	s6 =	simm.s32 @!p1 $0x1082;
	[sflag:s4] =	ssyncset.s32 $0xFFFFF086  }
0x25: {  	[simem:s6], [sflag:s4] =	dma.local [hbm:s3], $0xF7A  }
0x26: {  	[smem:$0x3F9F] =	sst s1;
	(tag) =	ssettag s2;
	_ =	strace s9  }
0x27: {  	s1 =	sld [smem:$0x3FAF]  }
0x28: {  	s2 =	sld [smem:$0x3FB0]  }
0x29: {  	s4 =	sld [smem:$0x3FB2]  }
0x2a: {  	p0 =	seq.s32 s5, $0x0;
	s5 =	sld [smem:$0x3FB3]  }
0x2b: {  	s6 =	sld [smem:$0x3FB4]  }
0x2c: {  	s7 =	sld [smem:$0x3FB5]  }
0x2d: {  	s3 =	simm.s32 $0x108;
	s8 =	sld [smem:$0x3FB6]  }
0x2e: {  	s3 =	simm.s32 @!p0 $0x1082;
	s9 =	sld [smem:$0x3FB7]  }
0x2f: {  	lr =	sadd.s32 s0, s3;
	s0 =	sld [smem:$0x3FAE]  }
0x30: {  	s3 =	sld [smem:$0x3FB1]  }
0x31: {  	[smem:$0x3FBA] =	sst s10  }
0x32: {  	s10 =	sld [smem:$0x3FB8];
	_ =	sdelay $0x3  }
0x33: {  	p0 =	seq.s32 s10, $0x1;
	s10 =	sld [smem:$0x3FBA];
	_ =	sdelay $0x3  }
0x34: {  	[smem:$0x3FBA] =	sst s10  }
0x35: {  	s10 =	sld [smem:$0x3FB9];
	_ =	sdelay $0x3  }
0x36: {  	p1 =	seq.s32 s10, $0x1;
	s10 =	sld [smem:$0x3FBA];
	_ =	sdelay $0x3  }
0x37: {  	[smem:$0x3FBA] =	sst s10  }
0x38: {  	s10 =	sld [smem:$0x3FBB]  }
0x39: {  	_ = 	snop;
	(pc) =	sbr.ind lr, $3  }
0x3a: {  	_ = 	snop  }
0x3b: {  	_ = 	snop  }
0x3c: {  	p2 =	seq.s32 s10, $0x1;
	s10 =	sld [smem:$0x3FBA]  }
0x3d: {  	_ =	shalt  }
0x3e: {  	_ =	shalt  }
0x3f: {  	_ =	shalt  }
0x40: {  	_ =	shalt  }
0x41: {  	_ =	shalt  }
0x42: {  	_ =	shalt  }
0x43: {  	_ =	shalt  }
0x44: {  	_ =	shalt  }
0x45: {  	_ =	shalt  }
0x46: {  	_ =	shalt  }
0x47: {  	_ =	shalt  }
0x48: {  	_ =	shalt  }
0x49: {  	_ =	shalt  }
0x4a: {  	_ =	shalt  }
0x4b: {  	_ =	shalt  }
0x4c: {  	_ =	shalt  }
0x4d: {  	_ =	shalt  }
0x4e: {  	_ =	shalt  }
0x4f: {  	_ =	shalt  }
0x50: {  	_ =	shalt  }
0x51: {  	_ =	shalt  }
0x52: {  	_ =	shalt  }
0x53: {  	_ =	shalt  }
0x54: {  	_ =	shalt  }
0x55: {  	_ =	shalt  }
0x56: {  	_ =	shalt  }
0x57: {  	_ =	shalt  }
0x58: {  	_ =	shalt  }
0x59: {  	_ =	shalt  }
0x5a: {  	_ =	shalt  }
0x5b: {  	_ =	shalt  }
0x5c: {  	_ =	shalt  }
0x5d: {  	_ =	shalt  }
0x5e: {  	_ =	shalt  }
0x5f: {  	_ =	shalt  }
0x60: {  	_ =	shalt  }
0x61: {  	_ =	shalt  }
0x62: {  	_ =	shalt  }
0x63: {  	_ =	shalt  }
0x64: {  	_ =	shalt  }
0x65: {  	_ =	shalt  }
0x66: {  	_ =	shalt  }
0x67: {  	_ =	shalt  }
0x68: {  	_ =	shalt  }
0x69: {  	_ =	shalt  }
0x6a: {  	_ =	shalt  }
0x6b: {  	_ =	shalt  }
0x6c: {  	_ =	shalt  }
0x6d: {  	_ =	shalt  }
0x6e: {  	_ =	shalt  }
0x6f: {  	_ =	shalt  }
0x70: {  	_ =	shalt  }
0x71: {  	_ =	shalt  }
0x72: {  	_ =	shalt  }
0x73: {  	_ =	shalt  }
0x74: {  	_ =	shalt  }
0x75: {  	_ =	shalt  }
0x76: {  	_ =	shalt  }
0x77: {  	_ =	shalt  }
0x78: {  	_ =	shalt  }
0x79: {  	_ =	shalt  }
0x7a: {  	_ =	shalt  }
0x7b: {  	_ =	shalt  }
0x7c: {  	_ =	shalt  }
0x7d: {  	_ =	shalt  }
0x7e: {  	_ =	shalt  }
0x7f: {  	_ =	shalt  }
0x80: {  	_ =	shalt  }
0x81: {  	_ =	shalt  }
0x82: {  	_ =	shalt  }
0x83: {  	_ =	shalt  }
0x84: {  	_ =	shalt  }
0x85: {  	_ =	shalt  }
0x86: {  	_ =	shalt  }
0x87: {  	_ =	shalt  }
.Lfunc_end0:
.L_simem_size_0:
called_computation.1_lowered:
.L_overlay_start_0:
0x88: {  	s2 =	sld [smem:$0x3FD9]  }
0x89: {  	s3 =	sld [smem:$0x3FFE];
	_ =	sdelay $0x1  }
0x8a: {  	s1 =	srdreg.scid  }
0x8b: {  	s0 =	sand.u32 $0x1, s1  }
0x8c: {  	s17 =	sshll.u32 s0, $0xA;
	s2 =	sadd.s32 s3, s2  }
0x8d: {  	s2 =	sadd.s32 s2, s17  }
0x8e: {  	[smem:$0x3FC6] =	sst s2  }
0x8f: {  	_ = 	snop  }
0x90: {  	s2 =	sld [smem:$0x3FD0];
	(tm) =	ssettm $0x1  }
0x91: {  	s18 =	sld [smem:$0x3FFB];
	_ =	sdelay $0x3  }
0x92: {  	_ =	strace s18  }
0x93: {  	s3 =	sld [smem:$0x3FFC];
	_ =	sdelay $0x3  }
0x94: {  	_ =	strace s3  }
0x95: {  	s3 =	sld [smem:$0x3FFD];
	_ =	sdelay $0x3  }
0x96: {  	_ =	strace s3  }
0x97: {  	_ =	strace $0x8FFFFFFF  }
0x98: {  	s19 =	sld [smem:$0x3FDB];
	_ =	sdelay $0x1  }
0x99: {  	s4 =	simm.s32 $_scs_section_size  }
0x9a: {  	s5 =	simm.s32 $_size__tile_overlayer_lowered;
	s6 =	simm.s32 $_tile_overlayer_lowered  }
0x9b: {  	s22 =	simm.s32 $0x1BFF;
	s21 =	sshll.u32 s6, $0x1;
	s3 =	sadd.s32 s4, s19  }
0x9c: {  	s7 =	simm.s32 $0x0;
	s20 =	sshll.u32 s5, $0x1;
	s5 =	sadd.s32 s21, s3  }
0x9d: {  	[timem:s7], [sflag:s22] =	dma.local [hbm:s5], s20  }
0x9e: {  	_ =	swait.ge [sflag:s22], s20  }
0x9f: {  	s4 =	ssub.s32 $0x0, s20;
	[sflag:s22] =	ssyncset.done $0x0  }
0xa0: {  	[sflag:s22] =	ssyncadd.s32 s4;
	_ =	sdelay $0x1  }
0xa1: {  	s23 =	simm.s32 $0x1B8B  }
0xa2: {  	_ =	swait.ge [sflag:s23], $0x1  }
0xa3: {  	[sflag:s23] =	ssyncset.done $0x0  }
0xa4: {  	s25 =	simm.s32 $0x1B8E;
	s24 =	sld [smem:$0x3FFE];
	[sflag:s23] =	ssyncadd.s32 $0xFFFFFFFF  }
0xa5: {  	s26 =	simm.s32 $execute0_lowered;
	[smem:$0x3FD2] =	sst s25  }
0xa6: {  	s5 =	sshll.u32 s26, $0x1;
	_ =	strace $0x80000046;
	[dreg:$0x1] =	wrdreg $0xFFFFFFFF  }
0xa7: {  	s28 =	simm.s32 $_size_execute0_lowered;
	s3 =	sadd.s32 s3, s5;
	[dreg:$0x0] =	wrdreg $0x0  }
0xa8: {  	s5 =	sshll.u32 s28, $0x1;
	[dreg:$0x2] =	wrdreg s3  }
0xa9: {  	[dreg:$0x3] =	wrdreg s5  }
0xaa: {  	[dreg:$0x4] =	wrdreg $0xC0  }
0xab: {  	_ =	task [dreg:s7], $0x5FFFF  }
0xac: {  	[dreg:$0x1] =	wrdreg $0xFFFFFFFF  }
0xad: {  	[dreg:$0x0] =	wrdreg $0x60  }
0xae: {  	[dreg:$0x2] =	wrdreg s2  }
0xaf: {  	[dreg:$0x3] =	wrdreg s24  }
0xb0: {  	[dreg:$0x4] =	wrdreg $0x9  }
0xb1: {  	_ =	task.clear_ibuf [dreg:s7], $0x5FFFF;
	_ =	strace $0x90000046  }
0xb2: {  	s29 =	simm.s32 $0x9;
	_ =	strace $0x80000048  }
0xb3: {  	_ =	swait.ge [sflag:s29], $0x1  }
0xb4: {  	[sflag:s29] =	ssyncadd.s32 $0xFFFFFFFF  }
0xb5: {  	_ =	strace $0x90000048  }
0xb6: {  	_ =	sfence  }
0xb7: {  	s30 =	sld [smem:$0x0];
	_ =	sdelay $0x2  }
0xb8: {  	s31 =	sshll.u32 s1, $0xD;
	s1 =	sshrl.u32 s1, $0x2  }
0xb9: {  	s3 =	sand.u32 $0x4000, s31;
	s1 =	sadd.s32 s1, s30  }
0xba: {  	s0 =	sor.u32 s3, s0;
	s1 =	sshll.u32 s1, $0x11  }
0xbb: {  	s0 =	sor.u32 s1, s0  }
0xbc: {  	s0 =	sadd.s32 $0x8F2B, s0  }
0xbd: {  	[sflag:s0] =	ssyncadd.remote.s32 $0x1  }
0xbe: {  	_ =	sfence.sel $0xFFFF  }
0xbf: {  	[dreg:$0x0] =	wrdreg $0xFFFFFFFF;
	(pc) =	sbr.abs _section_cstart, $3  }
0xc0: {  	[dreg:$0x1] =	wrdreg $0xFFFFFFFF  }
0xc1: {  	_ =	task.clear_ibuf [dreg:s7], $0x2FFFF;
	_ =	strace $0x9FFFFFFF  }
0xc2: {  	(tm) =	ssettm $0x7FFFFFFF  }
0xc3: {  	_ =	shalt  }
tec
execute0_lowered:
.L_overlay_start_1:
0x0: {  	(tag) =	ssettag $0x1  }
0x1: {  	s1 =	srdreg.scid;
	s4 =	rddreg [dreg:$0x0]  }
0x2: {  	s0 =	stileid.u32;
	s5 =	rddreg [dreg:$0x1];
	s12 =	simm.s32 $0x6400  }
0x3: {  	s13 =	simm.s32 $0xA400;
	s14 =	simm.s32 $0xE400;
	s15 =	simm.s32 $0x1  }
0x4: {  	s16 =	simm.s32 $0x12400;
	s17 =	simm.s32 $0x2;
	s18 =	simm.s32 $0x5  }
0x5: {  	s19 =	simm.s32 $0x3;
	s20 =	simm.s32 $0x6;
	s21 =	simm.s32 $0x4  }
0x6: {  	s22 =	simm.s32 $0x7;
	s23 =	simm.s32 $0x8;
	s7 =	smul.u32 $0xC8000, s0  }
0x7: {  	s1 =	sand.u32 $0x1, s1;
	s2 =	sshll.u32 s0, $0x1;
	s10 =	smul.u32 $0x640000, s0  }
0x8: {  	s11 =	sadd.s32 $0xA00, s5;
	s3 =	sor.u32 s1, s2;
	s8 =	smul.u32 $0x64000, s1  }
0x9: {  	s2 =	simm.s32 $0x0;
	s9 =	ssub.s32 $0x2, s1;
	s1 =	smul.u32 $0x320000, s1  }
0xa: {  	s6 =	smul.u32 $0xC80, s3;
	[smem:$0x7FF] =	sst s2;
	s3 =	sadd.s32 $0xF42E00, s5  }
0xb: {  	s24 =	sshrl.u32 s9, $0x1;
	s26 =	sadd.s32 s7, s11;
	_ =	strace $0x80000047  }
0xc: {  	s5 =	ssub.s32 s9, s24;
	s1 =	sadd.s32 s1, s10;
	s24 =	simm.s32 $0x0  }
0xd: {  	s25 =	sadd.s32 s4, s6;
	s28 =	smax.u32 s5, $0x1;
	s6 =	sadd.s32 s8, s26  }
0xe: {  	s29 =	sor.u32 $0xC000, s1;
	s30 =	sor.u32 $0x8000, s1;
	[dreg:$0x3] =	wrdreg s25  }
0xf: {  	s1 =	sshrl.u32 s1, $0x3;
	[dreg:$0x4] =	wrdreg s28;
	s6 =	sadd.s32 $0x800, s6  }
0x10: {  	s31 =	sshrl.u32 s29, $0x3;
	s8 =	sshrl.u32 s30, $0x3;
	s7 =	sadd.s32 s1, s11  }
0x11: {  	s1 =	sadd.s32 s31, s11;
	s9 =	sadd.s32 s8, s11;
	s11 =	simm.s32 $0x80  }
.LBB2_1:
0x12: {  	s0 =	rddreg [dreg:$0x3];
	s10 =	simm.s32 $0x9  }
0x13: {  	[tilespmem:s2], [sflag:$0x9] =	stream.linear.gather [hbm4b:s0+s2], $0x6400, $0x38;
	[tilespmem:$0x16400] =	vst v63  }
0x14: {  	_ =	swait.ge [sflag:s10], $0x6400  }
0x15: {  	[sflag:s10] =	ssyncset.done $0x0  }
0x16: {  	p0 =	por $0x1, $0x1;
	[sflag:s10] =	ssyncadd.s32 $0xFFFF9C00  }
0x17: {  	[tilespmem:s12], [sflag:$0x1] =	stream.indirect.gather [hbm4b:s3+s11], $0x80, s2, s11, $0xb8;
	[tilespmem:$0x16400] =	vst v63  }
0x18: {  	s8 =	simm.s32 @!p0 $0x7  }
0x19: {  	[tilespmem:s13], [sflag:$0x2] =	stream.indirect.gather [hbm4b:s3+s11], $0x80, s11, s11, $0xb8;
	[tilespmem:$0x16400] =	vst v63  }
0x1a: {  	_ =	swait.ge @!p0 [sflag:s8], $0x4000  }
0x1b: {  	[sflag:s8] =	ssyncset.done @!p0 $0x0  }
0x1c: {  	s25 =	simm.s32 $0x100;
	[sflag:s8] =	ssyncadd.s32 @!p0 $0xFFFFC000  }
0x1d: {  	[tilespmem:s14], [sflag:$0x3] =	stream.indirect.gather [hbm4b:s3+s11], $0x80, s25, s11, $0xb8;
	[tilespmem:$0x16400] =	vst v63  }
0x1e: {  	_ =	swait.ge [sflag:s15], $0x4000  }
0x1f: {  	[sflag:s15] =	ssyncset.done $0x0  }
0x20: {  	s8 =	simm.s32 @!p0 $0x8;
	[sflag:s15] =	ssyncadd.s32 $0xFFFFC000  }
0x21: {  	[hbm4b:s7+s2] =	stream.linear.scatter [tilespmem:s12], [sflag:$0x5], $0x4000, $0x38;
	[tilespmem:$0x16400] =	vst v63  }
0x22: {  	_ =	swait.ge @!p0 [sflag:s8], $0x4000  }
0x23: {  	[sflag:s8] =	ssyncset.done @!p0 $0x0  }
0x24: {  	s26 =	simm.s32 $0x180;
	[sflag:s8] =	ssyncadd.s32 @!p0 $0xFFFFC000  }
0x25: {  	[tilespmem:s16], [sflag:$0x4] =	stream.indirect.gather [hbm4b:s3+s11], $0x80, s26, s11, $0xb8;
	[tilespmem:$0x16400] =	vst v63  }
0x26: {  	_ =	swait.ge [sflag:s17], $0x4000  }
0x27: {  	[sflag:s17] =	ssyncset.done $0x0  }
0x28: {  	[sflag:s17] =	ssyncadd.s32 $0xFFFFC000  }
0x29: {  	[hbm4b:s6+s2] =	stream.linear.scatter [tilespmem:s13], [sflag:$0x6], $0x4000, $0x38;
	[tilespmem:$0x16400] =	vst v63  }
0x2a: {  	p0 =	por $0x0, $0x0;
	_ =	swait.ge [sflag:s18], $0x4000  }
0x2b: {  	s8 =	simm.s32 @!p0 $0x6400;
	[sflag:s18] =	ssyncset.done $0x0  }
0x2c: {  	s25 =	simm.s32 @!p0 $0x200;
	s29 =	simm.s32 @!p0 $0x80;
	[sflag:s18] =	ssyncadd.s32 $0xFFFFC000  }
0x2d: {  	[tilespmem:s8], [sflag:$0x1] =	stream.indirect.gather @!p0 [hbm4b:s3+s29], $0x80, s25, s29, $0xb8;
	[tilespmem:$0x16400] =	vst v63  }
0x2e: {  	_ =	swait.ge [sflag:s19], $0x4000  }
0x2f: {  	[sflag:s19] =	ssyncset.done $0x0  }
0x30: {  	[sflag:s19] =	ssyncadd.s32 $0xFFFFC000  }
0x31: {  	[hbm4b:s9+s2] =	stream.linear.scatter [tilespmem:s14], [sflag:$0x7], $0x4000, $0x38;
	[tilespmem:$0x16400] =	vst v63  }
0x32: {  	s28 =	simm.s32 $0x800;
	s31 =	simm.s32 $0x1000;
	_ =	swait.ge [sflag:s20], $0x4000  }
0x33: {  	s30 =	sadd.s32 $0x2000, s7;
	p1 =	por $0x0, $0x0;
	[sflag:s20] =	ssyncset.done $0x0  }
0x34: {  	s8 =	simm.s32 @!p0 $0x280;
	s25 =	simm.s32 @!p0 $0xA400;
	[sflag:s20] =	ssyncadd.s32 $0xFFFFC000  }
0x35: {  	[tilespmem:s25], [sflag:$0x2] =	stream.indirect.gather @!p0 [hbm4b:s3+s29], $0x80, s8, s29, $0xb8;
	[tilespmem:$0x16400] =	vst v63  }
0x36: {  	s26 =	sadd.s32 $0x2000, s9;
	s25 =	sadd.s32 $0x2000, s1;
	_ =	swait.ge [sflag:s21], $0x4000  }
0x37: {  	s29 =	sadd.s32 $0x2000, s6;
	s8 =	smov.u32 s1;
	[sflag:s21] =	ssyncset.done $0x0  }
.LBB2_2:
0x38: {  	s0 =	simm.s32 @!p1 $0x7  }
0x39: {  	[sflag:s21] =	ssyncadd.s32 $0xFFFFC000;
	s4 =	smov.u32 s31;
	s31 =	sadd.s32 $0x800, s31  }
0x3a: {  	[hbm4b:s8+s2] =	stream.linear.scatter [tilespmem:s16], [sflag:$0x8], $0x4000, $0x38;
	[tilespmem:$0x16400] =	vst v63  }
0x3b: {  	p0 =	sne.s32 s31, $0x19000;
	s8 =	smov.u32 s25;
	_ =	swait.ge @!p1 [sflag:s0], $0x4000  }
0x3c: {  	s5 =	sshra.s32 s28, $0x2;
	[sflag:s0] =	ssyncset.done @!p1 $0x0  }
0x3d: {  	[sflag:s0] =	ssyncadd.s32 @!p1 $0xFFFFC000;
	s0 =	sadd.s32 $0x100, s5  }
0x3e: {  	[tilespmem:s14], [sflag:$0x3] =	stream.indirect.gather [hbm4b:s3+s11], $0x80, s0, s11, $0xb8;
	[tilespmem:$0x16400] =	vst v63  }
0x3f: {  	_ =	swait.ge [sflag:s15], $0x4000  }
0x40: {  	[sflag:s15] =	ssyncset.done $0x0  }
0x41: {  	s0 =	simm.s32 @!p1 $0x8;
	[sflag:s15] =	ssyncadd.s32 $0xFFFFC000  }
0x42: {  	[hbm4b:s30+s2] =	stream.linear.scatter [tilespmem:s12], [sflag:$0x5], $0x4000, $0x38;
	[tilespmem:$0x16400] =	vst v63  }
0x43: {  	_ =	swait.ge @!p1 [sflag:s0], $0x4000  }
0x44: {  	[sflag:s0] =	ssyncset.done @!p1 $0x0  }
0x45: {  	[sflag:s0] =	ssyncadd.s32 @!p1 $0xFFFFC000;
	s0 =	sadd.s32 $0x180, s5  }
0x46: {  	[tilespmem:s16], [sflag:$0x4] =	stream.indirect.gather [hbm4b:s3+s11], $0x80, s0, s11, $0xb8;
	[tilespmem:$0x16400] =	vst v63  }
0x47: {  	_ =	swait.ge [sflag:s17], $0x4000  }
0x48: {  	[sflag:s17] =	ssyncset.done $0x0  }
0x49: {  	[sflag:s17] =	ssyncadd.s32 $0xFFFFC000  }
0x4a: {  	[hbm4b:s29+s2] =	stream.linear.scatter [tilespmem:s13], [sflag:$0x6], $0x4000, $0x38;
	[tilespmem:$0x16400] =	vst v63  }
0x4b: {  	p1 =	seq.s32 s28, $0x18800;
	_ =	swait.ge [sflag:s18], $0x4000  }
0x4c: {  	s0 =	sshra.s32 @!p1 s28, $0x2;
	s5 =	simm.s32 @!p1 $0x6400;
	[sflag:s18] =	ssyncset.done $0x0  }
0x4d: {  	s10 =	simm.s32 @!p1 $0x80;
	s28 =	sadd.s32 @!p1 $0x200, s0;
	[sflag:s18] =	ssyncadd.s32 $0xFFFFC000  }
0x4e: {  	[tilespmem:s5], [sflag:$0x1] =	stream.indirect.gather @!p1 [hbm4b:s3+s10], $0x80, s28, s10, $0xb8;
	[tilespmem:$0x16400] =	vst v63  }
0x4f: {  	s0 =	sadd.s32 @!p1 $0x280, s0;
	s28 =	smov.u32 s4;
	_ =	swait.ge [sflag:s19], $0x4000  }
0x50: {  	[sflag:s19] =	ssyncset.done $0x0  }
0x51: {  	[sflag:s19] =	ssyncadd.s32 $0xFFFFC000  }
0x52: {  	[hbm4b:s26+s2] =	stream.linear.scatter [tilespmem:s14], [sflag:$0x7], $0x4000, $0x38;
	[tilespmem:$0x16400] =	vst v63  }
0x53: {  	_ =	swait.ge [sflag:s20], $0x4000  }
.Ltmp0:
0x54: {  	[sflag:s20] =	ssyncset.done $0x0;
	(pc) =	sbr.rel @p0 .LBB2_2-.Ltmp0, $4  }
0x55: {  	s4 =	simm.s32 @!p1 $0xA400;
	s26 =	sadd.s32 $0x2000, s26;
	[sflag:s20] =	ssyncadd.s32 $0xFFFFC000  }
0x56: {  	[tilespmem:s4], [sflag:$0x2] =	stream.indirect.gather @!p1 [hbm4b:s3+s10], $0x80, s0, s10, $0xb8;
	[tilespmem:$0x16400] =	vst v63  }
0x57: {  	s25 =	sadd.s32 $0x2000, s25;
	s30 =	sadd.s32 $0x2000, s30;
	_ =	swait.ge [sflag:s21], $0x4000  }
0x58: {  	s29 =	sadd.s32 $0x2000, s29;
	p1 =	seq.s32 s28, $0x0;
	[sflag:s21] =	ssyncset.done $0x0  }
0x59: {  	s0 =	simm.s32 @!p1 $0x7;
	[sflag:s21] =	ssyncadd.s32 $0xFFFFC000  }
0x5a: {  	[hbm4b:s8+s2] =	stream.linear.scatter [tilespmem:s16], [sflag:$0x8], $0x4000, $0x38;
	[tilespmem:$0x16400] =	vst v63  }
0x5b: {  	_ =	swait.ge @!p1 [sflag:s0], $0x4000  }
0x5c: {  	s4 =	sshra.s32 s28, $0x2;
	[sflag:s0] =	ssyncset.done @!p1 $0x0  }
0x5d: {  	s10 =	sadd.s32 $0x100, s4;
	[sflag:s0] =	ssyncadd.s32 @!p1 $0xFFFFC000  }
0x5e: {  	[tilespmem:s14], [sflag:$0x3] =	stream.indirect.gather [hbm4b:s3+s11], $0x80, s10, s11, $0xb8;
	[tilespmem:$0x16400] =	vst v63  }
0x5f: {  	_ =	swait.ge [sflag:s15], $0x4000  }
0x60: {  	[sflag:s15] =	ssyncset.done $0x0  }
0x61: {  	s0 =	simm.s32 @!p1 $0x8;
	[sflag:s15] =	ssyncadd.s32 $0xFFFFC000  }
0x62: {  	[hbm4b:s30+s2] =	stream.linear.scatter [tilespmem:s12], [sflag:$0x5], $0x4000, $0x38;
	[tilespmem:$0x16400] =	vst v63  }
0x63: {  	_ =	swait.ge @!p1 [sflag:s0], $0x4000  }
0x64: {  	[sflag:s0] =	ssyncset.done @!p1 $0x0  }
0x65: {  	s30 =	sadd.s32 $0x180, s4;
	[sflag:s0] =	ssyncadd.s32 @!p1 $0xFFFFC000  }
0x66: {  	[tilespmem:s16], [sflag:$0x4] =	stream.indirect.gather [hbm4b:s3+s11], $0x80, s30, s11, $0xb8;
	[tilespmem:$0x16400] =	vst v63  }
0x67: {  	_ =	swait.ge [sflag:s17], $0x4000  }
0x68: {  	[sflag:s17] =	ssyncset.done $0x0  }
0x69: {  	[sflag:s17] =	ssyncadd.s32 $0xFFFFC000  }
0x6a: {  	[hbm4b:s29+s2] =	stream.linear.scatter [tilespmem:s13], [sflag:$0x6], $0x4000, $0x38;
	[tilespmem:$0x16400] =	vst v63  }
0x6b: {  	p0 =	seq.s32 s28, $0x18800;
	_ =	swait.ge [sflag:s18], $0x4000  }
0x6c: {  	s8 =	simm.s32 @!p0 $0x80;
	s0 =	sshra.s32 @!p0 s28, $0x2;
	[sflag:s18] =	ssyncset.done $0x0  }
0x6d: {  	s4 =	simm.s32 @!p0 $0x6400;
	s5 =	sadd.s32 @!p0 $0x200, s0;
	[sflag:s18] =	ssyncadd.s32 $0xFFFFC000  }
0x6e: {  	[tilespmem:s4], [sflag:$0x1] =	stream.indirect.gather @!p0 [hbm4b:s3+s8], $0x80, s5, s8, $0xb8;
	[tilespmem:$0x16400] =	vst v63  }
0x6f: {  	_ =	swait.ge [sflag:s19], $0x4000  }
0x70: {  	[sflag:s19] =	ssyncset.done $0x0  }
0x71: {  	[sflag:s19] =	ssyncadd.s32 $0xFFFFC000  }
0x72: {  	[hbm4b:s26+s2] =	stream.linear.scatter [tilespmem:s14], [sflag:$0x7], $0x4000, $0x38;
	[tilespmem:$0x16400] =	vst v63  }
0x73: {  	_ =	swait.ge [sflag:s20], $0x4000  }
0x74: {  	[sflag:s20] =	ssyncset.done $0x0  }
0x75: {  	s0 =	sadd.s32 @!p0 $0x280, s0;
	s4 =	simm.s32 @!p0 $0xA400;
	[sflag:s20] =	ssyncadd.s32 $0xFFFFC000  }
0x76: {  	[tilespmem:s4], [sflag:$0x2] =	stream.indirect.gather @!p0 [hbm4b:s3+s8], $0x80, s0, s8, $0xb8;
	[tilespmem:$0x16400] =	vst v63  }
0x77: {  	_ =	swait.ge [sflag:s21], $0x4000  }
0x78: {  	[sflag:s21] =	ssyncset.done $0x0  }
0x79: {  	[sflag:s21] =	ssyncadd.s32 $0xFFFFC000  }
0x7a: {  	[hbm4b:s25+s2] =	stream.linear.scatter [tilespmem:s16], [sflag:$0x8], $0x4000, $0x38;
	[tilespmem:$0x16400] =	vst v63  }
0x7b: {  	_ =	swait.ge [sflag:s22], $0x4000  }
0x7c: {  	[sflag:s22] =	ssyncset.done $0x0  }
0x7d: {  	[sflag:s22] =	ssyncadd.s32 $0xFFFFC000  }
0x7e: {  	_ =	swait.ge [sflag:s23], $0x4000  }
0x7f: {  	s24 =	sadd.s32 $0x1, s24;
	s31 =	rddreg [dreg:$0x4]  }
0x80: {  	p0 =	sne.s32 s24, s31  }
.Ltmp1:
0x81: {  	_ = 	snop;
	(pc) =	sbr.rel @p0 .LBB2_1-.Ltmp1, $3  }
0x82: {  	_ =	sdelay $0x1  }
0x83: {  	[sflag:s23] =	ssyncset.done $0x0  }
0x84: {  	[sflag:s23] =	ssyncadd.s32 $0xFFFFC000  }
0x85: {  	_ =	sfence.sel $0x180000  }
0x86: {  	[bflag:$0x0] =	sbarrier.arrive $0xFFFF  }
0x87: {  	_ =	strace $0x90000047  }
0x88: {  	s0 =	stileid.u32;
	[bflag:$0x2] =	sbarrier.arrive $0xFFFF  }
0x89: {  	p0 =	sne.s32 s0, $0x0;
	s0 =	rddreg [dreg:$0x2]  }
0x8a: {  	s0 =	sadd.s32 @!p0 $0x100000, s0  }
0x8b: {  	[sflag:s0] =	ssyncadd.tile.s32 @!p0 $0x1;
	_ =	shalt  }
.Lfunc_end2:
_tile_overlayer_lowered:
.L_overlay_start_2:
0x8c: {  	(tag) =	ssettag $0x2  }
0x8d: {  	s0 =	rddreg [dreg:$0x0];
	s2 =	stileid.u32  }
0x8e: {  	s1 =	rddreg [dreg:$0x1];
	p0 =	sne.s32 s2, $0x0  }
0x8f: {  	s3 =	rddreg [dreg:$0x2];
	[bflag:$0x3] =	sbarrier.arrive $0xFFFF;
	s2 =	simm.s32 @!p0 $0x1C09  }
0x90: {  	[timem:s3], [sflag:s2] =	dma.local @!p0 [hbm:s0], s1  }
0x91: {  	s0 =	simm.s32 @!p0 $0x9  }
0x92: {  	_ =	swait.ge @!p0 [sflag:s0], s1  }
0x93: {  	s1 =	ssub.s32 @!p0 $0x0, s1;
	[sflag:s0] =	ssyncset.done @!p0 $0x0  }
0x94: {  	[sflag:s0] =	ssyncadd.s32 @!p0 s1  }
0x95: {  	[bflag:$0x3] =	sbarrier.arrive $0xFFFF  }
0x96: {  	_ =	shalt  }

// kernel: sparse-core-data-format-call.cloned.1.call-start
scs
called_computation_lowered:
.L_overlay_start_0:
0x0: {  	s2 =	sld [smem:$0x3FD9]  }
0x1: {  	s3 =	sld [smem:$0x3FFE];
	_ =	sdelay $0x1  }
0x2: {  	s1 =	srdreg.scid  }
0x3: {  	s0 =	sand.u32 $0x1, s1  }
0x4: {  	s18 =	sshll.u32 s0, $0xA;
	s2 =	sadd.s32 s3, s2  }
0x5: {  	s2 =	sadd.s32 s2, s18  }
0x6: {  	[smem:$0x3FC6] =	sst s2  }
0x7: {  	_ = 	snop  }
0x8: {  	s2 =	sld [smem:$0x3FD0];
	(tm) =	ssettm $0x1  }
0x9: {  	s19 =	sld [smem:$0x3FFB];
	_ =	sdelay $0x3  }
0xa: {  	_ =	strace s19  }
0xb: {  	s3 =	sld [smem:$0x3FFC];
	_ =	sdelay $0x3  }
0xc: {  	_ =	strace s3  }
0xd: {  	s3 =	sld [smem:$0x3FFD];
	_ =	sdelay $0x3  }
0xe: {  	_ =	strace s3  }
0xf: {  	_ =	strace $0x8FFFFFFF  }
0x10: {  	s20 =	sld [smem:$0x3FDB];
	_ =	sdelay $0x1  }
0x11: {  	s4 =	simm.s32 $_scs_section_size  }
0x12: {  	s5 =	simm.s32 $_size__tile_overlayer_lowered;
	s6 =	simm.s32 $_tile_overlayer_lowered  }
0x13: {  	s23 =	simm.s32 $0x1BFF;
	s22 =	sshll.u32 s6, $0x1;
	s3 =	sadd.s32 s4, s20  }
0x14: {  	s7 =	simm.s32 $0x0;
	s21 =	sshll.u32 s5, $0x1;
	s5 =	sadd.s32 s22, s3  }
0x15: {  	[timem:s7], [sflag:s23] =	dma.local [hbm:s5], s21  }
0x16: {  	_ =	swait.ge [sflag:s23], s21  }
0x17: {  	s4 =	ssub.s32 $0x0, s21;
	[sflag:s23] =	ssyncset.done $0x0  }
0x18: {  	[sflag:s23] =	ssyncadd.s32 s4;
	_ =	sdelay $0x1  }
0x19: {  	s24 =	simm.s32 $0x1B8B  }
0x1a: {  	_ =	swait.ge [sflag:s24], $0x1  }
0x1b: {  	[sflag:s24] =	ssyncset.done $0x0  }
0x1c: {  	s26 =	simm.s32 $0x1B8E;
	s25 =	sld [smem:$0x3FFE];
	[sflag:s24] =	ssyncadd.s32 $0xFFFFFFFF  }
0x1d: {  	s27 =	simm.s32 $execute0_lowered;
	[smem:$0x3FD2] =	sst s26  }
0x1e: {  	s5 =	sshll.u32 s27, $0x1;
	_ =	strace $0x80000049;
	[dreg:$0x1] =	wrdreg $0xFFFFFFFF  }
0x1f: {  	s28 =	simm.s32 $_size_execute0_lowered;
	s3 =	sadd.s32 s3, s5;
	[dreg:$0x0] =	wrdreg $0x0  }
0x20: {  	s5 =	sshll.u32 s28, $0x1;
	[dreg:$0x2] =	wrdreg s3  }
0x21: {  	[dreg:$0x3] =	wrdreg s5  }
0x22: {  	[dreg:$0x4] =	wrdreg $0xC0  }
0x23: {  	_ =	task [dreg:s7], $0x5FFFF  }
0x24: {  	[dreg:$0x1] =	wrdreg $0xFFFFFFFF  }
0x25: {  	[dreg:$0x0] =	wrdreg $0x60  }
0x26: {  	[dreg:$0x2] =	wrdreg s25  }
0x27: {  	[dreg:$0x3] =	wrdreg s2  }
0x28: {  	[dreg:$0x4] =	wrdreg $0x9  }
0x29: {  	_ =	task.clear_ibuf [dreg:s7], $0x5FFFF;
	_ =	strace $0x90000049  }
0x2a: {  	s29 =	simm.s32 $0x9;
	_ =	strace $0x8000004B  }
0x2b: {  	_ =	swait.ge [sflag:s29], $0x1  }
0x2c: {  	[sflag:s29] =	ssyncadd.s32 $0xFFFFFFFF  }
0x2d: {  	_ =	strace $0x9000004B  }
0x2e: {  	_ =	sfence  }
0x2f: {  	s30 =	sld [smem:$0x0];
	_ =	sdelay $0x2  }
0x30: {  	s31 =	sshll.u32 s1, $0xD;
	s1 =	sshrl.u32 s1, $0x2  }
0x31: {  	s3 =	sand.u32 $0x4000, s31;
	s1 =	sadd.s32 s1, s30  }
0x32: {  	s0 =	sor.u32 s3, s0;
	s1 =	sshll.u32 s1, $0x11  }
0x33: {  	s0 =	sor.u32 s1, s0  }
0x34: {  	s0 =	sadd.s32 $0x8F2B, s0  }
0x35: {  	[sflag:s0] =	ssyncadd.remote.s32 $0x1  }
0x36: {  	_ =	sfence.sel $0xFFFF  }
0x37: {  	[dreg:$0x0] =	wrdreg $0xFFFFFFFF;
	(pc) =	sbr.abs _section_cstart, $3  }
0x38: {  	[dreg:$0x1] =	wrdreg $0xFFFFFFFF  }
0x39: {  	_ =	task.clear_ibuf [dreg:s7], $0x2FFFF;
	_ =	strace $0x9FFFFFFF  }
0x3a: {  	(tm) =	ssettm $0x7FFFFFFF  }
0x3b: {  	_ =	shalt  }
tec
execute0_lowered:
.L_overlay_start_1:
0x0: {  	(tag) =	ssettag $0x1  }
0x1: {  	s0 =	srdreg.scid  }
0x2: {  	s1 =	sshll.u32 s0, $0x4  }
0x3: {  	s0 =	stileid.u32;
	s1 =	sand.u32 $0x10, s1  }
0x4: {  	s1 =	sor.u32 s0, s1  }
0x5: {  	s6 =	rddreg [dreg:$0x0];
	s4 =	simm.s32 $0x1;
	s2 =	sshll.u32 s1, $0x7  }
0x6: {  	s7 =	simm.s32 $0x2;
	s12 =	simm.s32 $0x0;
	s1 =	ssub.s32 $0x1000, s2  }
0x7: {  	s8 =	simm.s32 $0x8000;
	s13 =	simm.s32 $0x0;
	s3 =	sand.u32 $0xF80, s1  }
0x8: {  	s9 =	simm.s32 $0x0;
	s5 =	sshrl.u32 s1, $0xC;
	p0 =	sne.s32 s3, $0x0  }
.Ltmp0:
0x9: {  	s1 =	rddreg [dreg:$0x2];
	s4 =	simm.s32 @!p0 $0x0;
	(pc) =	sbr.rel .LBB1_1-.Ltmp0, $4  }
0xa: {  	s11 =	simm.s32 $0x0;
	s3 =	rddreg [dreg:$0x1];
	s5 =	sadd.s32 s4, s5  }
0xb: {  	_ =	strace $0x8000004A;
	s4 =	simm.s32 $0x1;
	s5 =	smul.u32 $0xC8, s5  }
0xc: {  	s6 =	sadd.s32 $0xA00, s6;
	s10 =	smov.u32 s2;
	[sflag:s4] =	ssyncpa.u1 $0x0  }
0xd: {  	p0 =	por $0x0, $0x0;
	[sflag:s7] =	ssyncpa.u1 $0x0;
	s7 =	sor.u32 $0x1, s5  }
.LBB1_4:
0xe: {  	s16 =	sshll.u32 s13, $0x3;
	s17 =	sand.u32 $0x78, s13  }
0xf: {  	s30 =	sand.u32 $0x7E00, s13;
	s12 =	sshll.u32 s12, $0xF;
	s16 =	sand.u32 $0xC00, s16  }
0x10: {  	[tilespmem:s15+$0x810 ss:$0x81] =	vst.msk $0xffff, v2;
	s31 =	sand.u32 $0x7, s13;
	s16 =	sor.u32 s17, s16;
	s17 =	sadd.s32 s3, s30  }
0x11: {  	[tilespmem:s15+$0x1020 ss:$0x81] =	vst.msk $0xffff, v0;
	s13 =	sshll.u32 s31, $0x12;
	s12 =	sadd.s32 s12, s17;
	s16 =	sshrl.u32 s16, $0x3  }
0x12: {  	[tilespmem:s15+$0x0 ss:$0x81] =	vst.msk $0xffff, v1;
	s13 =	sor.u32 $0x400, s13;
	s12 =	sadd.s32 s16, s12  }
0x13: {  	[hbm4b:s12+s13] =	stream.strided.scatter [tilespmem:s14], [sflag:$0x2], $0x2000, s8, s13, $0x20;
	[tilespmem:$0x8080] =	vst v63  }
.LBB1_5:
0x14: {  	s14 =	sadd.s32 $0x1, s9  }
0x15: {  	s12 =	sadd.s32 $0x1000, s10;
	s16 =	smov.u32 s10;
	p2 =	sgt.s32 s14, $0xC7  }
0x16: {  	s16 =	smov.u32 @p2 s12  }
0x17: {  	s14 =	simm.s32 @p2 $0x0;
	p2 =	sgt.s32 s16, $0xFFF  }
0x18: {  	s16 =	smov.u32 @p2 s2;
	p2 =	sne.s32 s11, s7  }
.Ltmp1:
0x19: {  	p1 =	slt.u32 s11, $0x2;
	(pc) =	sbr.rel @!p2 .LBB1_6-.Ltmp1, $4  }
0x1a: {  	s15 =	simm.s32 @!p1 $0x2  }
0x1b: {  	s13 =	smov.u32 s10;
	p0 =	por !p0, !p0;
	_ =	swait.ge @!p1 [sflag:s15], $0x2000  }
0x1c: {  	s12 =	smov.u32 s9;
	[sflag:s15] =	ssyncset.done @!p1 $0x0;
	s9 =	smov.u32 s14  }
0x1d: {  	s11 =	sadd.s32 $0x1, s11;
	[sflag:s15] =	ssyncadd.s32 @!p1 $0xFFFFE000;
	s10 =	smov.u32 s16  }
.LBB1_1:
0x1e: {  	p1 =	sge.u32 s11, s5  }
0x1f: {  	s14 =	sand.u32 @!p1 $0x1FFFFFF, s9  }
0x20: {  	s15 =	smulhi.u32 @!p1 $0x147AE15, s14;
	_ =	sdelay $0x1  }
0x21: {  	s15 =	smul.u32 @!p1 $0xC8, s15  }
0x22: {  	s16 =	sxor.u32 @!p1 $0xFFFFFFFF, s11;
	s17 =	smul.u32 @!p1 $0xC80, s10  }
0x23: {  	s31 =	sadd.s32 $0xFFFFFFFF, s11;
	s16 =	sshll.u32 @!p1 s16, $0xD;
	s14 =	ssub.s32 @!p1 s14, s15  }
0x24: {  	s15 =	sand.u32 @!p1 $0x2000, s16;
	s16 =	sadd.s32 @!p1 s6, s17;
	s14 =	sshll.u32 @!p1 s14, $0x4  }
0x25: {  	s17 =	simm.s32 @!p1 $0x6400;
	s14 =	sadd.s32 @!p1 s14, s16;
	s16 =	simm.s32 @!p1 $0x40  }
0x26: {  	[tilespmem:s15], [sflag:$0x1] =	stream.strided.gather @!p1 [hbm4b:s14+s16], $0x2000, s17, s16, $0x38;
	[tilespmem:$0x8080] =	vst v63  }
0x27: {  	p1 =	sge.u32 s31, s5  }
.Ltmp2:
0x28: {  	_ = 	snop;
	(pc) =	sbr.rel @p1 .LBB1_5-.Ltmp2, $1  }
0x29: {  	_ =	sdelay $0x3  }
0x2a: {  	s14 =	simm.s32 $0x1  }
0x2b: {  	_ =	swait.ge [sflag:s4], $0x2000;
	s14 =	simm.s32 @!p0 $0x0  }
0x2c: {  	[sflag:s4] =	ssyncset.done $0x0;
	s15 =	sshll.u32 s14, $0xD  }
0x2d: {  	[sflag:s4] =	ssyncadd.s32 $0xFFFFE000;
	s18 =	sor.u32 $0x20, s15  }
0x2e: {  	s14 =	smul.u32 $0x8100, s14;
	v3 =	vld [tilespmem:s18+$0x10]  }
0x2f: {  	s30 =	sand.u32 $0x1, s11;
	v2 =	vld [tilespmem:s18+$0xFFFFFFF0]  }
0x30: {  	s15 =	smul.u32 $0x8100, s30;
	s14 =	sshrl.u32 s14, $0x2;
	v0 =	vld [tilespmem:s18+$0x0]  }
0x31: {  	v1 =	vld [tilespmem:s18+$0xFFFFFFE0];
	s16 =	sor.u32 $0x4000, s14  }
0x32: {  	s31 =	sshrl.u32 s15, $0x2;
	s15 =	sadd.s32 $0x0, s16  }
0x33: {  	s17 =	simm.s32 $0x4;
	s18 =	sadd.s32 $0x40, s18;
	s14 =	sor.u32 $0x4000, s31;
	[tilespmem:s15+$0x1830 ss:$0x81] =	vst.msk $0xffff, v3  }
.LBB1_3:
0x34: {  	v3 =	vld [tilespmem:s18+$0x10];
	p1 =	sne.s32 s17, $0x1FC;
	[tilespmem:s15+$0x810 ss:$0x81] =	vst.msk $0xffff, v2;
	s19 =	smov.u32 s17;
	s17 =	sadd.s32 $0x4, s17  }
.Ltmp3:
0x35: {  	v2 =	vld [tilespmem:s18+$0xFFFFFFF0];
	[tilespmem:s15+$0x1020 ss:$0x81] =	vst.msk $0xffff, v0;
	(pc) =	sbr.rel @p1 .LBB1_3-.Ltmp3, $4  }
0x36: {  	v0 =	vld [tilespmem:s18+$0x0];
	[tilespmem:s15+$0x0 ss:$0x81] =	vst.msk $0xffff, v1  }
0x37: {  	s15 =	sshra.s32 s19, $0x2;
	v1 =	vld [tilespmem:s18+$0xFFFFFFE0]  }
0x38: {  	s15 =	sadd.s32 s15, s16  }
0x39: {  	s18 =	sadd.s32 $0x40, s18;
	[tilespmem:s15+$0x1830 ss:$0x81] =	vst.msk $0xffff, v3  }
.Ltmp4:
0x3a: {  	_ = 	snop;
	(pc) =	sbr.rel .LBB1_4-.Ltmp4, $1  }
0x3b: {  	_ =	sdelay $0x3  }
.LBB1_6:
0x3c: {  	_ =	sfence.sel $0x180000  }
0x3d: {  	s2 =	simm.s32 $0x1;
	[bflag:$0x0] =	sbarrier.arrive $0xFFFF  }
0x3e: {  	s31 =	simm.s32 $0x2;
	[sflag:s2] =	ssyncpa.u1 $0x1  }
0x3f: {  	[sflag:s31] =	ssyncpa.u1 $0x1  }
0x40: {  	p0 =	sne.s32 s0, $0x0;
	_ =	strace $0x9000004A  }
0x41: {  	s0 =	sadd.s32 @!p0 $0x100000, s1;
	[bflag:$0x2] =	sbarrier.arrive $0xFFFF  }
0x42: {  	[sflag:s0] =	ssyncadd.tile.s32 @!p0 $0x1;
	_ =	shalt  }
.Lfunc_end1:
_tile_overlayer_lowered:
.L_overlay_start_2:
0x43: {  	(tag) =	ssettag $0x2  }
0x44: {  	s0 =	rddreg [dreg:$0x0];
	s2 =	stileid.u32  }
0x45: {  	s1 =	rddreg [dreg:$0x1];
	p0 =	sne.s32 s2, $0x0  }
0x46: {  	s3 =	rddreg [dreg:$0x2];
	[bflag:$0x3] =	sbarrier.arrive $0xFFFF;
	s2 =	simm.s32 @!p0 $0x1C01  }
0x47: {  	[timem:s3], [sflag:s2] =	dma.local @!p0 [hbm:s0], s1  }
0x48: {  	s0 =	simm.s32 @!p0 $0x1  }
0x49: {  	_ =	swait.ge @!p0 [sflag:s0], s1  }
0x4a: {  	s1 =	ssub.s32 @!p0 $0x0, s1;
	[sflag:s0] =	ssyncset.done @!p0 $0x0  }
0x4b: {  	[sflag:s0] =	ssyncadd.s32 @!p0 s1  }
0x4c: {  	[bflag:$0x3] =	sbarrier.arrive $0xFFFF  }
0x4d: {  	_ =	shalt  }

</sc_bundles>
